<compile_context>
chip_gen: v7x
topology: tpu7x:2x2x1
jax: 0.10.2.dev20260603
libtpu: 0.0.44.dev20260713+nightly
codegen_flags: <defaults>
</compile_context>

<pallas_src>
import functools

import jax
import jax.numpy as jnp
from jax.experimental import pallas as pl
from jax.experimental.pallas import tpu as pltpu
from jax.experimental.pallas import tpu_sc as plsc

N = 100
T = 64
F = 128
H = 256
EMB = 64
FLAT_IN = 32
FLAT_OUT = 64
GNN_HID = 256
GNN_OUT = 128
E = 800
NP = 128


def _sigmoid(x):
    return jnp.tanh(x * 0.5) * 0.5 + 0.5


CH = 80


NCHUNK = E // CH
RPS = NP // 16


def _adj_body(src_hbm, dst_hbm, eye_hbm, zeros_hbm, out_hbm,
              src_v, dst_v, buf_v, a_sh):
    cid = jax.lax.axis_index("c")
    sid = jax.lax.axis_index("s")
    rows = pl.ds(sid * RPS, RPS)

    @pl.when(cid == 0)
    def _():
        pltpu.sync_copy(zeros_hbm.at[rows], a_sh.at[rows])

    plsc.subcore_barrier()

    @pl.when(jnp.logical_and(cid == 0, sid < NCHUNK))
    def _():
        sl = pl.ds(sid * CH, CH)
        pltpu.sync_copy(src_hbm.at[sl], src_v)
        pltpu.sync_copy(dst_hbm.at[sl], dst_v)
        pltpu.sync_copy(eye_hbm.at[src_v], buf_v)
        pltpu.sync_copy(buf_v, a_sh.at[dst_v], add=True)

    plsc.subcore_barrier()

    @pl.when(cid == 0)
    def _():
        pltpu.sync_copy(a_sh.at[rows], out_hbm.at[rows])


def _adjacency_sc(edge_index, eye, zeros):
    f32 = jnp.float32
    k = pl.kernel(
        _adj_body,
        out_type=jax.ShapeDtypeStruct((NP, NP), f32),
        mesh=plsc.VectorSubcoreMesh(core_axis_name="c", subcore_axis_name="s"),
        scratch_types=[
            pltpu.VMEM((CH,), jnp.int32),
            pltpu.VMEM((CH,), jnp.int32),
            pltpu.VMEM((CH, NP), f32),
            pltpu.VMEM_SHARED((NP, NP), f32),
        ],
    )
    return k(edge_index[0], edge_index[1], eye, zeros)


def _tc_body(xT_ref, WihT_ref, WhhT_ref, brz_ref, bihn_ref, bhhn_ref,
             A_ref, flat_ref, emb_ref,
             Wf_ref, bf_ref, Wl1_ref, bl1_ref, Wr1_ref,
             Wl2_ref, bl2_ref, Wr2_ref, Wo_ref, bo_ref,
             out_ref, gi_ref):
    f32 = jnp.float32
    bf16 = jnp.bfloat16
    WhhT = WhhT_ref[...]
    brz = brz_ref[...]
    bihn = bihn_ref[...]
    bhhn = bhhn_ref[...]

    gi_ref[...] = jnp.dot(xT_ref[...], WihT_ref[...],
                          preferred_element_type=f32).astype(bf16)

    def substep(t, h):
        gi = gi_ref[pl.ds(t * NP, NP), :].astype(f32)
        gh = jnp.dot(h.astype(bf16), WhhT, preferred_element_type=f32)
        rz = _sigmoid(gi[:, 0:2 * H] + gh[:, 0:2 * H] + brz)
        r = rz[:, 0:H]
        z = rz[:, H:2 * H]
        n = jnp.tanh(gi[:, 2 * H:3 * H] + bihn + r * (gh[:, 2 * H:3 * H] + bhhn))
        return n + z * (h - n)

    def step(i, h):
        h = substep(2 * i, h)
        return substep(2 * i + 1, h)

    h = jax.lax.fori_loop(0, T // 2, step, jnp.zeros((NP, H), f32))
    A = A_ref[...]

    flat_enc = (
        jnp.dot(flat_ref[...], Wf_ref[...], preferred_element_type=f32)
        + bf_ref[...]
    )
    gnn_in = jnp.concatenate([h, flat_enc, emb_ref[...]], axis=1)

    cnt = jnp.sum(A, axis=1, keepdims=True)
    denom = jnp.maximum(cnt, 1.0)
    Ab = A.astype(bf16)

    mean1 = (jnp.dot(Ab, gnn_in.astype(bf16), preferred_element_type=f32)
             / denom)
    h1 = jax.nn.relu(
        jnp.dot(mean1.astype(bf16), Wl1_ref[...], preferred_element_type=f32)
        + bl1_ref[...]
        + jnp.dot(gnn_in.astype(bf16), Wr1_ref[...], preferred_element_type=f32)
    )
    mean2 = (jnp.dot(Ab, h1.astype(bf16), preferred_element_type=f32)
             / denom)
    g2 = (
        jnp.dot(mean2.astype(bf16), Wl2_ref[...], preferred_element_type=f32)
        + bl2_ref[...]
        + jnp.dot(h1.astype(bf16), Wr2_ref[...], preferred_element_type=f32)
    )

    cat = jnp.concatenate([g2, h], axis=1)
    logits = jnp.dot(cat, Wo_ref[...], preferred_element_type=f32) + bo_ref[...]
    out_ref[...] = _sigmoid(logits)


def kernel(node_feat, flat, edge_index, W_ih, W_hh, b_ih, b_hh, emb,
           Wf, bf, Wl1, bl1, Wr1, Wl2, bl2, Wr2, Wo, bo):
    f32 = jnp.float32
    bf16 = jnp.bfloat16
    xT = jnp.transpose(node_feat, (1, 0, 2))
    xT = jnp.pad(xT, ((0, 0), (0, NP - N), (0, 0)))
    xT = xT.reshape(T * NP, F).astype(bf16)
    flat_p = jnp.pad(flat, ((0, NP - N), (0, 0)))
    emb_p = jnp.pad(emb, ((0, NP - N), (0, 0)))
    brz = (b_ih[:2 * H] + b_hh[:2 * H]).reshape(1, -1)
    bihn = b_ih[2 * H:].reshape(1, -1)
    bhhn = b_hh[2 * H:].reshape(1, -1)

    A = _adjacency_sc(edge_index, jnp.eye(NP, dtype=f32),
                      jnp.zeros((NP, NP), f32))

    out = pl.pallas_call(
        _tc_body,
        out_shape=jax.ShapeDtypeStruct((NP, 1), f32),
        scratch_shapes=[pltpu.VMEM((T * NP, 3 * H), bf16)],
    )(
        xT, W_ih.T.astype(bf16), W_hh.T.astype(bf16),
        brz, bihn, bhhn,
        A, flat_p, emb_p,
        Wf, bf.reshape(1, -1),
        Wl1.astype(bf16), bl1.reshape(1, -1), Wr1.astype(bf16),
        Wl2.astype(bf16), bl2.reshape(1, -1), Wr2.astype(bf16),
        Wo, bo.reshape(1, 1),
    )
    return out[:N, 0]

# --- scband reference (transcript-rebuilt; emitter-appended) ---
"""Pipeline reference for scband-rnn-gnn-89172110999587 (READ-ONLY COPY).

The authoritative reference and input builder live on the scoring server;
editing this copy changes nothing except your own understanding.
"""

import jax, jax.numpy as jnp
import numpy as np

N = 100; T = 64; F = 128; H = 256; EMB = 64
FLAT_IN = 32; FLAT_OUT = 64; GNN_HID = 256; GNN_OUT = 128; E = 800
GNN_IN = H + FLAT_OUT + EMB  # 384
OUT_IN = GNN_OUT + H         # 384


def setup_inputs(seed: int = 0) -> dict:
    key = jax.random.key(seed)
    ks = jax.random.split(key, 24)
    s = 0.05
    inp = {}
    inp['node_feat'] = jax.random.normal(ks[0], (N, T, F), dtype=jnp.float32)
    inp['flat'] = jax.random.normal(ks[1], (N, FLAT_IN), dtype=jnp.float32)
    inp['edge_index'] = jax.random.randint(ks[2], (2, E), 0, N, dtype=jnp.int32)
    # GRU encoder params (torch convention: W_ih [3H, F], W_hh [3H, H])
    inp['W_ih'] = jax.random.normal(ks[3], (3 * H, F), dtype=jnp.float32) * s
    inp['W_hh'] = jax.random.normal(ks[4], (3 * H, H), dtype=jnp.float32) * s
    inp['b_ih'] = jax.random.normal(ks[5], (3 * H,), dtype=jnp.float32) * s
    inp['b_hh'] = jax.random.normal(ks[6], (3 * H,), dtype=jnp.float32) * s
    # node embedding table (100 nodes)
    inp['emb'] = jax.random.normal(ks[7], (N, EMB), dtype=jnp.float32) * s
    # flat encoder
    inp['Wf'] = jax.random.normal(ks[8], (FLAT_IN, FLAT_OUT), dtype=jnp.float32) * s
    inp['bf'] = jax.random.normal(ks[9], (FLAT_OUT,), dtype=jnp.float32) * s
    # GraphSAGE layer 1 (lin_l has bias, lin_r no bias, like PyG SAGEConv)
    inp['Wl1'] = jax.random.normal(ks[10], (GNN_IN, GNN_HID), dtype=jnp.float32) * s
    inp['bl1'] = jax.random.normal(ks[11], (GNN_HID,), dtype=jnp.float32) * s
    inp['Wr1'] = jax.random.normal(ks[12], (GNN_IN, GNN_HID), dtype=jnp.float32) * s
    # GraphSAGE layer 2
    inp['Wl2'] = jax.random.normal(ks[13], (GNN_HID, GNN_OUT), dtype=jnp.float32) * s
    inp['bl2'] = jax.random.normal(ks[14], (GNN_OUT,), dtype=jnp.float32) * s
    inp['Wr2'] = jax.random.normal(ks[15], (GNN_HID, GNN_OUT), dtype=jnp.float32) * s
    # output head
    inp['Wo'] = jax.random.normal(ks[16], (OUT_IN, 1), dtype=jnp.float32) * s
    inp['bo'] = jax.random.normal(ks[17], (1,), dtype=jnp.float32) * s
    return inp


def _gru(x_seq, W_ih, W_hh, b_ih, b_hh):
    # x_seq: [T, B, F]; returns final hidden [B, H]
    B = x_seq.shape[1]
    h0 = jnp.zeros((B, H), dtype=x_seq.dtype)

    def step(h, x):
        gi = x @ W_ih.T + b_ih
        gh = h @ W_hh.T + b_hh
        i_r, i_z, i_n = jnp.split(gi, 3, axis=-1)
        h_r, h_z, h_n = jnp.split(gh, 3, axis=-1)
        r = jax.nn.sigmoid(i_r + h_r)
        z = jax.nn.sigmoid(i_z + h_z)
        n = jnp.tanh(i_n + r * h_n)
        h_new = (1.0 - z) * n + z * h
        return h_new, None

    h_final, _ = jax.lax.scan(step, h0, x_seq)
    return h_final


def _sage_layer(x, src, dst, Wl, bl, Wr):
    # mean aggregation over incoming edges at dst (PyG SAGEConv, aggr='mean')
    msg_sum = jax.ops.segment_sum(x[src], dst, num_segments=N)
    cnt = jax.ops.segment_sum(jnp.ones((src.shape[0], 1), dtype=x.dtype), dst, num_segments=N)
    mean = msg_sum / jnp.maximum(cnt, 1.0)
    return mean @ Wl + bl + x @ Wr


def reference(node_feat, flat, edge_index, W_ih, W_hh, b_ih, b_hh, emb,
              Wf, bf, Wl1, bl1, Wr1, Wl2, bl2, Wr2, Wo, bo):
    # forward: node_feat [N, T, F] -> transpose(0,1) -> [T, N, F]
    x_seq = jnp.transpose(node_feat, (1, 0, 2))
    enc_out = _gru(x_seq, W_ih, W_hh, b_ih, b_hh)          # [N, H]
    enc_out = enc_out.reshape(enc_out.shape[0], -1)
    flat_enc = flat @ Wf + bf                               # [N, FLAT_OUT]
    node_emb = emb                                          # [N, EMB]
    gnn_input = jnp.concatenate([enc_out, flat_enc, node_emb], axis=-1)  # [N, 384]
    src = edge_index[0]
    dst = edge_index[1]
    h1 = jax.nn.relu(_sage_layer(gnn_input, src, dst, Wl1, bl1, Wr1))
    gnn_output = _sage_layer(h1, src, dst, Wl2, bl2, Wr2)   # [N, GNN_OUT]
    out_cat = jnp.concatenate([gnn_output, enc_out], axis=-1)  # [N, 384]
    logits = out_cat @ Wo + bo                              # [N, 1]
    return jax.nn.sigmoid(logits).squeeze(-1)               # [N]

if __name__ == "__main__":
    import jax
    _d = setup_inputs()
    print(jax.jit(kernel)(*tuple(_d.values())))

</pallas_src>

<mosaic_0001>
#map = affine_map<(d0, d1) -> (0)>
#map1 = affine_map<(d0, d1) -> (0, 0)>
module attributes {stable_mosaic.version = 14 : i64} {
  func.func @_adj_body(%arg0: i32, %arg1: i32, %arg2: memref<800xi32, #tpu.memory_space<hbm>>, %arg3: memref<800xi32, #tpu.memory_space<hbm>>, %arg4: memref<128x128xf32, #tpu.memory_space<hbm>>, %arg5: memref<128x128xf32, #tpu.memory_space<hbm>>, %arg6: memref<128x128xf32, #tpu.memory_space<hbm>>, %arg7: memref<80xi32, #tpu.memory_space<vmem>>, %arg8: memref<80xi32, #tpu.memory_space<vmem>>, %arg9: memref<80x128xf32, #tpu.memory_space<vmem>>, %arg10: memref<128x128xf32, #tpu.memory_space<vmem_shared>>) attributes {dimension_semantics = [#tpu.dimension_semantics<core_parallel>, #tpu.dimension_semantics<subcore_parallel>], iteration_bounds = array<i64: 2, 16>, scalar_prefetch = 0 : i64, scratch_operands = 4 : i64, tpu.core_type = #tpu.core_type<sc_vector_subcore>, window_params = [{transform_indices = #map}, {transform_indices = #map}, {transform_indices = #map1}, {transform_indices = #map1}, {transform_indices = #map1}]} {
    %mul3A = arith.constant 8 : i32
    %mul3A_0 = arith.muli %arg1, %mul3A : i32
    %eq3A = arith.constant 0 : i32
    %eq3A_1 = arith.cmpi eq, %arg0, %eq3A : i32
    %convert_element_type3A = arith.extui %eq3A_1 : i1 to i32
    %cond3A = arith.constant 0 : i32
    %cond3A_2 = arith.cmpi ne, %convert_element_type3A, %cond3A : i32
    scf.if %cond3A_2 {
      "tpu.region"() ({
        %run_scoped3A = tpu.sem_alloc : memref<!tpu.dma_semaphore, #tpu.memory_space<semaphore_mem>>
        %dma_start3A = arith.constant 0 : i32
        %dma_start3A_15 = tpu.memref_slice %arg10[%mul3A_0, %dma_start3A] : memref<128x128xf32, #tpu.memory_space<vmem_shared>> -> memref<8x128xf32, #tpu.memory_space<vmem_shared>>
        %dma_start3A_16 = arith.constant 0 : i32
        %dma_start3A_17 = tpu.memref_slice %arg5[%mul3A_0, %dma_start3A_16] : memref<128x128xf32, #tpu.memory_space<hbm>> -> memref<8x128xf32, #tpu.memory_space<hbm>>
        tpu.enqueue_dma source(%dma_start3A_17 : memref<8x128xf32, #tpu.memory_space<hbm>>) target(%dma_start3A_15 : memref<8x128xf32, #tpu.memory_space<vmem_shared>>) target_semaphore(%run_scoped3A : memref<!tpu.dma_semaphore, #tpu.memory_space<semaphore_mem>>)
        %dma_wait3A = arith.constant 0 : i32
        %dma_wait3A_18 = tpu.memref_slice %arg10[%mul3A_0, %dma_wait3A] : memref<128x128xf32, #tpu.memory_space<vmem_shared>> -> memref<8x128xf32, #tpu.memory_space<vmem_shared>>
        %dma_wait3A_19 = arith.constant 0 : i32
        %dma_wait3A_20 = tpu.memref_slice %arg5[%mul3A_0, %dma_wait3A_19] : memref<128x128xf32, #tpu.memory_space<hbm>> -> memref<8x128xf32, #tpu.memory_space<hbm>>
        tpu.wait_dma2 semaphore(%run_scoped3A : memref<!tpu.dma_semaphore, #tpu.memory_space<semaphore_mem>>) src(%dma_wait3A_20 : memref<8x128xf32, #tpu.memory_space<hbm>>) dst(%dma_wait3A_18 : memref<8x128xf32, #tpu.memory_space<vmem_shared>>)
        tpu.yield
      }) : () -> ()
    } else {
    }
    %barrier3A = arith.constant 0 : index
    tpu.barrier barrier_id(%barrier3A)
    %eq3A_3 = arith.constant 0 : i32
    %eq3A_4 = arith.cmpi eq, %arg0, %eq3A_3 : i32
    %lt3A = arith.constant 10 : i32
    %lt3A_5 = arith.cmpi slt, %arg1, %lt3A : i32
    %and3A = arith.andi %eq3A_4, %lt3A_5 : i1
    %convert_element_type3A_6 = arith.extui %and3A : i1 to i32
    %cond3A_7 = arith.constant 0 : i32
    %cond3A_8 = arith.cmpi ne, %convert_element_type3A_6, %cond3A_7 : i32
    scf.if %cond3A_8 {
      %mul3A_15 = arith.constant 80 : i32
      %mul3A_16 = arith.muli %arg1, %mul3A_15 : i32
      "tpu.region"() ({
        %run_scoped3A = tpu.sem_alloc : memref<!tpu.dma_semaphore, #tpu.memory_space<semaphore_mem>>
        %dma_start3A = tpu.memref_slice %arg2[%mul3A_16] : memref<800xi32, #tpu.memory_space<hbm>> -> memref<80xi32, #tpu.memory_space<hbm>>
        %dma_start3A_17 = tpu.memref_slice %arg2[%mul3A_16] : memref<800xi32, #tpu.memory_space<hbm>> -> memref<80xi32, #tpu.memory_space<hbm>>
        tpu.enqueue_dma source(%dma_start3A_17 : memref<80xi32, #tpu.memory_space<hbm>>) target(%arg7 : memref<80xi32, #tpu.memory_space<vmem>>) target_semaphore(%run_scoped3A : memref<!tpu.dma_semaphore, #tpu.memory_space<semaphore_mem>>)
        %dma_wait3A = tpu.memref_slice %arg2[%mul3A_16] : memref<800xi32, #tpu.memory_space<hbm>> -> memref<80xi32, #tpu.memory_space<hbm>>
        %dma_wait3A_18 = tpu.memref_slice %arg2[%mul3A_16] : memref<800xi32, #tpu.memory_space<hbm>> -> memref<80xi32, #tpu.memory_space<hbm>>
        tpu.wait_dma2 semaphore(%run_scoped3A : memref<!tpu.dma_semaphore, #tpu.memory_space<semaphore_mem>>) src(%dma_wait3A_18 : memref<80xi32, #tpu.memory_space<hbm>>) dst(%arg7 : memref<80xi32, #tpu.memory_space<vmem>>)
        tpu.yield
      }) : () -> ()
      "tpu.region"() ({
        %run_scoped3A = tpu.sem_alloc : memref<!tpu.dma_semaphore, #tpu.memory_space<semaphore_mem>>
        %dma_start3A = tpu.memref_slice %arg3[%mul3A_16] : memref<800xi32, #tpu.memory_space<hbm>> -> memref<80xi32, #tpu.memory_space<hbm>>
        %dma_start3A_17 = tpu.memref_slice %arg3[%mul3A_16] : memref<800xi32, #tpu.memory_space<hbm>> -> memref<80xi32, #tpu.memory_space<hbm>>
        tpu.enqueue_dma source(%dma_start3A_17 : memref<80xi32, #tpu.memory_space<hbm>>) target(%arg8 : memref<80xi32, #tpu.memory_space<vmem>>) target_semaphore(%run_scoped3A : memref<!tpu.dma_semaphore, #tpu.memory_space<semaphore_mem>>)
        %dma_wait3A = tpu.memref_slice %arg3[%mul3A_16] : memref<800xi32, #tpu.memory_space<hbm>> -> memref<80xi32, #tpu.memory_space<hbm>>
        %dma_wait3A_18 = tpu.memref_slice %arg3[%mul3A_16] : memref<800xi32, #tpu.memory_space<hbm>> -> memref<80xi32, #tpu.memory_space<hbm>>
        tpu.wait_dma2 semaphore(%run_scoped3A : memref<!tpu.dma_semaphore, #tpu.memory_space<semaphore_mem>>) src(%dma_wait3A_18 : memref<80xi32, #tpu.memory_space<hbm>>) dst(%arg8 : memref<80xi32, #tpu.memory_space<vmem>>)
        tpu.yield
      }) : () -> ()
      "tpu.region"() ({
        %run_scoped3A = tpu.sem_alloc : memref<!tpu.dma_semaphore, #tpu.memory_space<semaphore_mem>>
        %dma_start3A = arith.constant 0 : i32
        %dma_start3A_17 = arith.constant 0 : i32
        %dma_start3A_18 = tpu.memref_slice %arg4[%dma_start3A, %dma_start3A_17] : memref<128x128xf32, #tpu.memory_space<hbm>> -> memref<128x128xf32, #tpu.memory_space<hbm>>
        tpu.enqueue_indirect_dma source(%dma_start3A_18 : memref<128x128xf32, #tpu.memory_space<hbm>>) target(%arg9 : memref<80x128xf32, #tpu.memory_space<vmem>>) offsets(%arg7 : memref<80xi32, #tpu.memory_space<vmem>>) semaphore(%run_scoped3A : memref<!tpu.dma_semaphore, #tpu.memory_space<semaphore_mem>>)
        %dma_wait3A = arith.constant 0 : i32
        %dma_wait3A_19 = arith.constant 0 : i32
        %dma_wait3A_20 = tpu.memref_slice %arg4[%dma_wait3A, %dma_wait3A_19] : memref<128x128xf32, #tpu.memory_space<hbm>> -> memref<128x128xf32, #tpu.memory_space<hbm>>
        tpu.wait_indirect_dma semaphore(%run_scoped3A : memref<!tpu.dma_semaphore, #tpu.memory_space<semaphore_mem>>) src(%dma_wait3A_20 : memref<128x128xf32, #tpu.memory_space<hbm>>) dst(%arg9 : memref<80x128xf32, #tpu.memory_space<vmem>>)
        tpu.yield
      }) : () -> ()
      "tpu.region"() ({
        %run_scoped3A = tpu.sem_alloc : memref<!tpu.dma_semaphore, #tpu.memory_space<semaphore_mem>>
        %dma_start3A = arith.constant 0 : i32
        %dma_start3A_17 = arith.constant 0 : i32
        %dma_start3A_18 = tpu.memref_slice %arg10[%dma_start3A, %dma_start3A_17] : memref<128x128xf32, #tpu.memory_space<vmem_shared>> -> memref<128x128xf32, #tpu.memory_space<vmem_shared>>
        tpu.enqueue_indirect_dma source(%arg9 : memref<80x128xf32, #tpu.memory_space<vmem>>) target(%dma_start3A_18 : memref<128x128xf32, #tpu.memory_space<vmem_shared>>) offsets(%arg8 : memref<80xi32, #tpu.memory_space<vmem>>) semaphore(%run_scoped3A : memref<!tpu.dma_semaphore, #tpu.memory_space<semaphore_mem>>) {add = true}
        %dma_wait3A = arith.constant 0 : i32
        %dma_wait3A_19 = arith.constant 0 : i32
        %dma_wait3A_20 = tpu.memref_slice %arg10[%dma_wait3A, %dma_wait3A_19] : memref<128x128xf32, #tpu.memory_space<vmem_shared>> -> memref<128x128xf32, #tpu.memory_space<vmem_shared>>
        tpu.wait_indirect_dma semaphore(%run_scoped3A : memref<!tpu.dma_semaphore, #tpu.memory_space<semaphore_mem>>) src(%arg9 : memref<80x128xf32, #tpu.memory_space<vmem>>) dst(%dma_wait3A_20 : memref<128x128xf32, #tpu.memory_space<vmem_shared>>)
        tpu.yield
      }) : () -> ()
    } else {
    }
    %barrier3A_9 = arith.constant 0 : index
    tpu.barrier barrier_id(%barrier3A_9)
    %eq3A_10 = arith.constant 0 : i32
    %eq3A_11 = arith.cmpi eq, %arg0, %eq3A_10 : i32
    %convert_element_type3A_12 = arith.extui %eq3A_11 : i1 to i32
    %cond3A_13 = arith.constant 0 : i32
    %cond3A_14 = arith.cmpi ne, %convert_element_type3A_12, %cond3A_13 : i32
    scf.if %cond3A_14 {
      "tpu.region"() ({
        %run_scoped3A = tpu.sem_alloc : memref<!tpu.dma_semaphore, #tpu.memory_space<semaphore_mem>>
        %dma_start3A = arith.constant 0 : i32
        %dma_start3A_15 = tpu.memref_slice %arg6[%mul3A_0, %dma_start3A] : memref<128x128xf32, #tpu.memory_space<hbm>> -> memref<8x128xf32, #tpu.memory_space<hbm>>
        %dma_start3A_16 = arith.constant 0 : i32
        %dma_start3A_17 = tpu.memref_slice %arg10[%mul3A_0, %dma_start3A_16] : memref<128x128xf32, #tpu.memory_space<vmem_shared>> -> memref<8x128xf32, #tpu.memory_space<vmem_shared>>
        tpu.enqueue_dma source(%dma_start3A_17 : memref<8x128xf32, #tpu.memory_space<vmem_shared>>) target(%dma_start3A_15 : memref<8x128xf32, #tpu.memory_space<hbm>>) target_semaphore(%run_scoped3A : memref<!tpu.dma_semaphore, #tpu.memory_space<semaphore_mem>>)
        %dma_wait3A = arith.constant 0 : i32
        %dma_wait3A_18 = tpu.memref_slice %arg6[%mul3A_0, %dma_wait3A] : memref<128x128xf32, #tpu.memory_space<hbm>> -> memref<8x128xf32, #tpu.memory_space<hbm>>
        %dma_wait3A_19 = arith.constant 0 : i32
        %dma_wait3A_20 = tpu.memref_slice %arg10[%mul3A_0, %dma_wait3A_19] : memref<128x128xf32, #tpu.memory_space<vmem_shared>> -> memref<8x128xf32, #tpu.memory_space<vmem_shared>>
        tpu.wait_dma2 semaphore(%run_scoped3A : memref<!tpu.dma_semaphore, #tpu.memory_space<semaphore_mem>>) src(%dma_wait3A_20 : memref<8x128xf32, #tpu.memory_space<vmem_shared>>) dst(%dma_wait3A_18 : memref<8x128xf32, #tpu.memory_space<hbm>>)
        tpu.yield
      }) : () -> ()
    } else {
    }
    return
  }
}

module attributes {stable_mosaic.version = 14 : i64} {
  func.func @_tc_body(%arg0: memref<8192x128xbf16, #tpu.memory_space<vmem>>, %arg1: memref<128x768xbf16, #tpu.memory_space<vmem>>, %arg2: memref<256x768xbf16, #tpu.memory_space<vmem>>, %arg3: memref<1x512xf32, #tpu.memory_space<vmem>>, %arg4: memref<1x256xf32, #tpu.memory_space<vmem>>, %arg5: memref<1x256xf32, #tpu.memory_space<vmem>>, %arg6: memref<128x128xf32, #tpu.memory_space<vmem>>, %arg7: memref<128x32xf32, #tpu.memory_space<vmem>>, %arg8: memref<128x64xf32, #tpu.memory_space<vmem>>, %arg9: memref<32x64xf32, #tpu.memory_space<vmem>>, %arg10: memref<1x64xf32, #tpu.memory_space<vmem>>, %arg11: memref<384x256xbf16, #tpu.memory_space<vmem>>, %arg12: memref<1x256xf32, #tpu.memory_space<vmem>>, %arg13: memref<384x256xbf16, #tpu.memory_space<vmem>>, %arg14: memref<256x128xbf16, #tpu.memory_space<vmem>>, %arg15: memref<1x128xf32, #tpu.memory_space<vmem>>, %arg16: memref<256x128xbf16, #tpu.memory_space<vmem>>, %arg17: memref<384x1xf32, #tpu.memory_space<vmem>>, %arg18: memref<1x1xf32, #tpu.memory_space<vmem>>, %arg19: memref<128x1xf32, #tpu.memory_space<vmem>>, %arg20: memref<8192x768xbf16, #tpu.memory_space<vmem>>) attributes {dimension_semantics = [], scalar_prefetch = 0 : i64, scratch_operands = 1 : i64, tpu.core_type = #tpu.core_type<tc>} {
    %get3A = arith.constant 0 : index
    %get3A_0 = arith.constant 0 : index
    %get3A_1 = vector.load %arg2[%get3A, %get3A_0] : memref<256x768xbf16, #tpu.memory_space<vmem>>, vector<256x768xbf16>
    %get3A_2 = arith.constant 0 : index
    %get3A_3 = arith.constant 0 : index
    %get3A_4 = vector.load %arg3[%get3A_2, %get3A_3] : memref<1x512xf32, #tpu.memory_space<vmem>>, vector<1x512xf32>
    %get3A_5 = arith.constant 0 : index
    %get3A_6 = arith.constant 0 : index
    %get3A_7 = vector.load %arg4[%get3A_5, %get3A_6] : memref<1x256xf32, #tpu.memory_space<vmem>>, vector<1x256xf32>
    %get3A_8 = arith.constant 0 : index
    %get3A_9 = arith.constant 0 : index
    %get3A_10 = vector.load %arg5[%get3A_8, %get3A_9] : memref<1x256xf32, #tpu.memory_space<vmem>>, vector<1x256xf32>
    %get3A_11 = arith.constant 0 : index
    %get3A_12 = arith.constant 0 : index
    %get3A_13 = vector.load %arg0[%get3A_11, %get3A_12] : memref<8192x128xbf16, #tpu.memory_space<vmem>>, vector<8192x128xbf16>
    %get3A_14 = arith.constant 0 : index
    %get3A_15 = arith.constant 0 : index
    %get3A_16 = vector.load %arg1[%get3A_14, %get3A_15] : memref<128x768xbf16, #tpu.memory_space<vmem>>, vector<128x768xbf16>
    %dot_general3A = arith.constant dense<0.000000e+00> : vector<8192x768xf32>
    %dot_general3A_17 = tpu.matmul %get3A_13, %get3A_16, %dot_general3A {dimension_numbers = #tpu.dot_dimension_numbers<[1], [0], [0], [1], [0, 0, 1, 1], [], []>, transpose_lhs_hint = false} : vector<8192x128xbf16>, vector<128x768xbf16>, vector<8192x768xf32> -> vector<8192x768xf32>
    %convert_element_type3A = arith.truncf %dot_general3A_17 : vector<8192x768xf32> to vector<8192x768xbf16>
    %swap3A = arith.constant 0 : index
    %swap3A_18 = arith.constant 0 : index
    %swap3A_19 = vector.load %arg20[%swap3A, %swap3A_18] : memref<8192x768xbf16, #tpu.memory_space<vmem>>, vector<8192x768xbf16>
    tpu.vector_store %arg20[%swap3A, %swap3A_18], %convert_element_type3A {strides = array<i32>} : memref<8192x768xbf16, #tpu.memory_space<vmem>>, vector<8192x768xbf16>,
    %broadcast_in_dim3A = arith.constant 0.000000e+00 : f32
    %broadcast_in_dim3A_20 = vector.broadcast %broadcast_in_dim3A : f32 to vector<128x256xf32>
    %scan3A = arith.constant 0 : i32
    %scan3A_21 = arith.constant 32 : i32
    %scan3A_22 = arith.addi %scan3A, %scan3A_21 : i32
    %scan3A_23 = arith.constant 1 : i32
    %scan3A_24 = scf.for %scan3A_119 = %scan3A to %scan3A_22 step %scan3A_23 iter_args(%scan3A_120 = %broadcast_in_dim3A_20) -> (vector<128x256xf32>)  : i32 {
      %mul3A_121 = arith.constant 2 : i32
      %mul3A_122 = arith.muli %mul3A_121, %scan3A_119 : i32
      %mul3A_123 = arith.constant 128 : i32
      %mul3A_124 = arith.muli %mul3A_122, %mul3A_123 : i32
      %get3A_125 = arith.index_cast %mul3A_124 : i32 to index
      %get3A_126 = arith.constant 0 : index
      %get3A_127 = vector.load %arg20[%get3A_125, %get3A_126] : memref<8192x768xbf16, #tpu.memory_space<vmem>>, vector<128x768xbf16>
      %convert_element_type3A_128 = arith.extf %get3A_127 : vector<128x768xbf16> to vector<128x768xf32>
      %convert_element_type3A_129 = arith.truncf %scan3A_120 : vector<128x256xf32> to vector<128x256xbf16>
      %dot_general3A_130 = arith.constant dense<0.000000e+00> : vector<128x768xf32>
      %dot_general3A_131 = tpu.matmul %convert_element_type3A_129, %get3A_1, %dot_general3A_130 {dimension_numbers = #tpu.dot_dimension_numbers<[1], [0], [0], [1], [0, 0, 1, 1], [], []>, transpose_lhs_hint = false} : vector<128x256xbf16>, vector<256x768xbf16>, vector<128x768xf32> -> vector<128x768xf32>
      %slice3A = vector.extract_strided_slice %convert_element_type3A_128 {offsets = [0, 0], sizes = [128, 512], strides = [1, 1]} : vector<128x768xf32> to vector<128x512xf32>
      %slice3A_132 = vector.extract_strided_slice %dot_general3A_131 {offsets = [0, 0], sizes = [128, 512], strides = [1, 1]} : vector<128x768xf32> to vector<128x512xf32>
      %add3A_133 = arith.addf %slice3A, %slice3A_132 : vector<128x512xf32>
      %add3A_134 = vector.broadcast %get3A_4 : vector<1x512xf32> to vector<128x512xf32>
      %add3A_135 = arith.addf %add3A_133, %add3A_134 : vector<128x512xf32>
      %mul3A_136 = arith.constant 5.000000e-01 : f32
      %mul3A_137 = vector.broadcast %mul3A_136 : f32 to vector<128x512xf32>
      %mul3A_138 = arith.mulf %add3A_135, %mul3A_137 : vector<128x512xf32>
      %tanh3A_139 = math.tanh %mul3A_138 : vector<128x512xf32>
      %mul3A_140 = arith.constant 5.000000e-01 : f32
      %mul3A_141 = vector.broadcast %mul3A_140 : f32 to vector<128x512xf32>
      %mul3A_142 = arith.mulf %tanh3A_139, %mul3A_141 : vector<128x512xf32>
      %add3A_143 = arith.constant 5.000000e-01 : f32
      %add3A_144 = vector.broadcast %add3A_143 : f32 to vector<128x512xf32>
      %add3A_145 = arith.addf %mul3A_142, %add3A_144 : vector<128x512xf32>
      %slice3A_146 = vector.extract_strided_slice %add3A_145 {offsets = [0, 0], sizes = [128, 256], strides = [1, 1]} : vector<128x512xf32> to vector<128x256xf32>
      %slice3A_147 = vector.extract_strided_slice %add3A_145 {offsets = [0, 256], sizes = [128, 256], strides = [1, 1]} : vector<128x512xf32> to vector<128x256xf32>
      %slice3A_148 = vector.extract_strided_slice %convert_element_type3A_128 {offsets = [0, 512], sizes = [128, 256], strides = [1, 1]} : vector<128x768xf32> to vector<128x256xf32>
      %add3A_149 = vector.broadcast %get3A_7 : vector<1x256xf32> to vector<128x256xf32>
      %add3A_150 = arith.addf %slice3A_148, %add3A_149 : vector<128x256xf32>
      %slice3A_151 = vector.extract_strided_slice %dot_general3A_131 {offsets = [0, 512], sizes = [128, 256], strides = [1, 1]} : vector<128x768xf32> to vector<128x256xf32>
      %add3A_152 = vector.broadcast %get3A_10 : vector<1x256xf32> to vector<128x256xf32>
      %add3A_153 = arith.addf %slice3A_151, %add3A_152 : vector<128x256xf32>
      %mul3A_154 = arith.mulf %slice3A_146, %add3A_153 : vector<128x256xf32>
      %add3A_155 = arith.addf %add3A_150, %mul3A_154 : vector<128x256xf32>
      %tanh3A_156 = math.tanh %add3A_155 : vector<128x256xf32>
      %sub3A = arith.subf %scan3A_120, %tanh3A_156 : vector<128x256xf32>
      %mul3A_157 = arith.mulf %slice3A_147, %sub3A : vector<128x256xf32>
      %add3A_158 = arith.addf %tanh3A_156, %mul3A_157 : vector<128x256xf32>
      %mul3A_159 = arith.constant 2 : i32
      %mul3A_160 = arith.muli %mul3A_159, %scan3A_119 : i32
      %add3A_161 = arith.constant 1 : i32
      %add3A_162 = arith.addi %mul3A_160, %add3A_161 : i32
      %mul3A_163 = arith.constant 128 : i32
      %mul3A_164 = arith.muli %add3A_162, %mul3A_163 : i32
      %get3A_165 = arith.index_cast %mul3A_164 : i32 to index
      %get3A_166 = arith.constant 0 : index
      %get3A_167 = vector.load %arg20[%get3A_165, %get3A_166] : memref<8192x768xbf16, #tpu.memory_space<vmem>>, vector<128x768xbf16>
      %convert_element_type3A_168 = arith.extf %get3A_167 : vector<128x768xbf16> to vector<128x768xf32>
      %convert_element_type3A_169 = arith.truncf %add3A_158 : vector<128x256xf32> to vector<128x256xbf16>
      %dot_general3A_170 = arith.constant dense<0.000000e+00> : vector<128x768xf32>
      %dot_general3A_171 = tpu.matmul %convert_element_type3A_169, %get3A_1, %dot_general3A_170 {dimension_numbers = #tpu.dot_dimension_numbers<[1], [0], [0], [1], [0, 0, 1, 1], [], []>, transpose_lhs_hint = false} : vector<128x256xbf16>, vector<256x768xbf16>, vector<128x768xf32> -> vector<128x768xf32>
      %slice3A_172 = vector.extract_strided_slice %convert_element_type3A_168 {offsets = [0, 0], sizes = [128, 512], strides = [1, 1]} : vector<128x768xf32> to vector<128x512xf32>
      %slice3A_173 = vector.extract_strided_slice %dot_general3A_171 {offsets = [0, 0], sizes = [128, 512], strides = [1, 1]} : vector<128x768xf32> to vector<128x512xf32>
      %add3A_174 = arith.addf %slice3A_172, %slice3A_173 : vector<128x512xf32>
      %add3A_175 = vector.broadcast %get3A_4 : vector<1x512xf32> to vector<128x512xf32>
      %add3A_176 = arith.addf %add3A_174, %add3A_175 : vector<128x512xf32>
      %mul3A_177 = arith.constant 5.000000e-01 : f32
      %mul3A_178 = vector.broadcast %mul3A_177 : f32 to vector<128x512xf32>
      %mul3A_179 = arith.mulf %add3A_176, %mul3A_178 : vector<128x512xf32>
      %tanh3A_180 = math.tanh %mul3A_179 : vector<128x512xf32>
      %mul3A_181 = arith.constant 5.000000e-01 : f32
      %mul3A_182 = vector.broadcast %mul3A_181 : f32 to vector<128x512xf32>
      %mul3A_183 = arith.mulf %tanh3A_180, %mul3A_182 : vector<128x512xf32>
      %add3A_184 = arith.constant 5.000000e-01 : f32
      %add3A_185 = vector.broadcast %add3A_184 : f32 to vector<128x512xf32>
      %add3A_186 = arith.addf %mul3A_183, %add3A_185 : vector<128x512xf32>
      %slice3A_187 = vector.extract_strided_slice %add3A_186 {offsets = [0, 0], sizes = [128, 256], strides = [1, 1]} : vector<128x512xf32> to vector<128x256xf32>
      %slice3A_188 = vector.extract_strided_slice %add3A_186 {offsets = [0, 256], sizes = [128, 256], strides = [1, 1]} : vector<128x512xf32> to vector<128x256xf32>
      %slice3A_189 = vector.extract_strided_slice %convert_element_type3A_168 {offsets = [0, 512], sizes = [128, 256], strides = [1, 1]} : vector<128x768xf32> to vector<128x256xf32>
      %add3A_190 = vector.broadcast %get3A_7 : vector<1x256xf32> to vector<128x256xf32>
      %add3A_191 = arith.addf %slice3A_189, %add3A_190 : vector<128x256xf32>
      %slice3A_192 = vector.extract_strided_slice %dot_general3A_171 {offsets = [0, 512], sizes = [128, 256], strides = [1, 1]} : vector<128x768xf32> to vector<128x256xf32>
      %add3A_193 = vector.broadcast %get3A_10 : vector<1x256xf32> to vector<128x256xf32>
      %add3A_194 = arith.addf %slice3A_192, %add3A_193 : vector<128x256xf32>
      %mul3A_195 = arith.mulf %slice3A_187, %add3A_194 : vector<128x256xf32>
      %add3A_196 = arith.addf %add3A_191, %mul3A_195 : vector<128x256xf32>
      %tanh3A_197 = math.tanh %add3A_196 : vector<128x256xf32>
      %sub3A_198 = arith.subf %add3A_158, %tanh3A_197 : vector<128x256xf32>
      %mul3A_199 = arith.mulf %slice3A_188, %sub3A_198 : vector<128x256xf32>
      %add3A_200 = arith.addf %tanh3A_197, %mul3A_199 : vector<128x256xf32>
      scf.yield %add3A_200 : vector<128x256xf32>
    }
    %scan3A_25 = arith.constant 32 : i32
    %get3A_26 = arith.constant 0 : index
    %get3A_27 = arith.constant 0 : index
    %get3A_28 = vector.load %arg6[%get3A_26, %get3A_27] : memref<128x128xf32, #tpu.memory_space<vmem>>, vector<128x128xf32>
    %get3A_29 = arith.constant 0 : index
    %get3A_30 = arith.constant 0 : index
    %get3A_31 = vector.load %arg7[%get3A_29, %get3A_30] : memref<128x32xf32, #tpu.memory_space<vmem>>, vector<128x32xf32>
    %get3A_32 = arith.constant 0 : index
    %get3A_33 = arith.constant 0 : index
    %get3A_34 = vector.load %arg9[%get3A_32, %get3A_33] : memref<32x64xf32, #tpu.memory_space<vmem>>, vector<32x64xf32>
    %dot_general3A_35 = arith.constant dense<0.000000e+00> : vector<128x64xf32>
    %dot_general3A_36 = tpu.matmul %get3A_31, %get3A_34, %dot_general3A_35 {dimension_numbers = #tpu.dot_dimension_numbers<[1], [0], [0], [1], [0, 0, 1, 1], [], []>, transpose_lhs_hint = false} : vector<128x32xf32>, vector<32x64xf32>, vector<128x64xf32> -> vector<128x64xf32>
    %get3A_37 = arith.constant 0 : index
    %get3A_38 = arith.constant 0 : index
    %get3A_39 = vector.load %arg10[%get3A_37, %get3A_38] : memref<1x64xf32, #tpu.memory_space<vmem>>, vector<1x64xf32>
    %add3A = vector.broadcast %get3A_39 : vector<1x64xf32> to vector<128x64xf32>
    %add3A_40 = arith.addf %dot_general3A_36, %add3A : vector<128x64xf32>
    %get3A_41 = arith.constant 0 : index
    %get3A_42 = arith.constant 0 : index
    %get3A_43 = vector.load %arg8[%get3A_41, %get3A_42] : memref<128x64xf32, #tpu.memory_space<vmem>>, vector<128x64xf32>
    %concatenate3A = tpu.concatenate %scan3A_24, %add3A_40, %get3A_43 in 1 : vector<128x256xf32>, vector<128x64xf32>, vector<128x64xf32> -> vector<128x384xf32>
    %reduce_sum3A = arith.constant dense<0.000000e+00> : vector<128xf32>
    %reduce_sum3A_44 = vector.multi_reduction <add>, %get3A_28, %reduce_sum3A [1] : vector<128x128xf32> to vector<128xf32>
    %broadcast_in_dim3A_45 = vector.shape_cast %reduce_sum3A_44 : vector<128xf32> to vector<128x1xf32>
    %max3A = arith.constant 1.000000e+00 : f32
    %max3A_46 = vector.broadcast %max3A : f32 to vector<128x1xf32>
    %max3A_47 = arith.maximumf %broadcast_in_dim3A_45, %max3A_46 : vector<128x1xf32>
    %convert_element_type3A_48 = arith.truncf %get3A_28 : vector<128x128xf32> to vector<128x128xbf16>
    %convert_element_type3A_49 = arith.truncf %concatenate3A : vector<128x384xf32> to vector<128x384xbf16>
    %dot_general3A_50 = arith.constant dense<0.000000e+00> : vector<128x384xf32>
    %dot_general3A_51 = tpu.matmul %convert_element_type3A_48, %convert_element_type3A_49, %dot_general3A_50 {dimension_numbers = #tpu.dot_dimension_numbers<[1], [0], [0], [1], [0, 0, 1, 1], [], []>, transpose_lhs_hint = false} : vector<128x128xbf16>, vector<128x384xbf16>, vector<128x384xf32> -> vector<128x384xf32>
    %div3A = vector.broadcast %max3A_47 : vector<128x1xf32> to vector<128x384xf32>
    %div3A_52 = arith.divf %dot_general3A_51, %div3A : vector<128x384xf32>
    %convert_element_type3A_53 = arith.truncf %div3A_52 : vector<128x384xf32> to vector<128x384xbf16>
    %get3A_54 = arith.constant 0 : index
    %get3A_55 = arith.constant 0 : index
    %get3A_56 = vector.load %arg11[%get3A_54, %get3A_55] : memref<384x256xbf16, #tpu.memory_space<vmem>>, vector<384x256xbf16>
    %dot_general3A_57 = arith.constant dense<0.000000e+00> : vector<128x256xf32>
    %dot_general3A_58 = tpu.matmul %convert_element_type3A_53, %get3A_56, %dot_general3A_57 {dimension_numbers = #tpu.dot_dimension_numbers<[1], [0], [0], [1], [0, 0, 1, 1], [], []>, transpose_lhs_hint = false} : vector<128x384xbf16>, vector<384x256xbf16>, vector<128x256xf32> -> vector<128x256xf32>
    %get3A_59 = arith.constant 0 : index
    %get3A_60 = arith.constant 0 : index
    %get3A_61 = vector.load %arg12[%get3A_59, %get3A_60] : memref<1x256xf32, #tpu.memory_space<vmem>>, vector<1x256xf32>
    %add3A_62 = vector.broadcast %get3A_61 : vector<1x256xf32> to vector<128x256xf32>
    %add3A_63 = arith.addf %dot_general3A_58, %add3A_62 : vector<128x256xf32>
    %convert_element_type3A_64 = arith.truncf %concatenate3A : vector<128x384xf32> to vector<128x384xbf16>
    %get3A_65 = arith.constant 0 : index
    %get3A_66 = arith.constant 0 : index
    %get3A_67 = vector.load %arg13[%get3A_65, %get3A_66] : memref<384x256xbf16, #tpu.memory_space<vmem>>, vector<384x256xbf16>
    %dot_general3A_68 = arith.constant dense<0.000000e+00> : vector<128x256xf32>
    %dot_general3A_69 = tpu.matmul %convert_element_type3A_64, %get3A_67, %dot_general3A_68 {dimension_numbers = #tpu.dot_dimension_numbers<[1], [0], [0], [1], [0, 0, 1, 1], [], []>, transpose_lhs_hint = false} : vector<128x384xbf16>, vector<384x256xbf16>, vector<128x256xf32> -> vector<128x256xf32>
    %add3A_70 = arith.addf %add3A_63, %dot_general3A_69 : vector<128x256xf32>
    %max3A_71 = arith.constant 0.000000e+00 : f32
    %max3A_72 = vector.broadcast %max3A_71 : f32 to vector<128x256xf32>
    %max3A_73 = arith.maximumf %add3A_70, %max3A_72 : vector<128x256xf32>
    %convert_element_type3A_74 = arith.truncf %max3A_73 : vector<128x256xf32> to vector<128x256xbf16>
    %dot_general3A_75 = arith.constant dense<0.000000e+00> : vector<128x256xf32>
    %dot_general3A_76 = tpu.matmul %convert_element_type3A_48, %convert_element_type3A_74, %dot_general3A_75 {dimension_numbers = #tpu.dot_dimension_numbers<[1], [0], [0], [1], [0, 0, 1, 1], [], []>, transpose_lhs_hint = false} : vector<128x128xbf16>, vector<128x256xbf16>, vector<128x256xf32> -> vector<128x256xf32>
    %div3A_77 = vector.broadcast %max3A_47 : vector<128x1xf32> to vector<128x256xf32>
    %div3A_78 = arith.divf %dot_general3A_76, %div3A_77 : vector<128x256xf32>
    %convert_element_type3A_79 = arith.truncf %div3A_78 : vector<128x256xf32> to vector<128x256xbf16>
    %get3A_80 = arith.constant 0 : index
    %get3A_81 = arith.constant 0 : index
    %get3A_82 = vector.load %arg14[%get3A_80, %get3A_81] : memref<256x128xbf16, #tpu.memory_space<vmem>>, vector<256x128xbf16>
    %dot_general3A_83 = arith.constant dense<0.000000e+00> : vector<128x128xf32>
    %dot_general3A_84 = tpu.matmul %convert_element_type3A_79, %get3A_82, %dot_general3A_83 {dimension_numbers = #tpu.dot_dimension_numbers<[1], [0], [0], [1], [0, 0, 1, 1], [], []>, transpose_lhs_hint = false} : vector<128x256xbf16>, vector<256x128xbf16>, vector<128x128xf32> -> vector<128x128xf32>
    %get3A_85 = arith.constant 0 : index
    %get3A_86 = arith.constant 0 : index
    %get3A_87 = vector.load %arg15[%get3A_85, %get3A_86] : memref<1x128xf32, #tpu.memory_space<vmem>>, vector<1x128xf32>
    %add3A_88 = vector.broadcast %get3A_87 : vector<1x128xf32> to vector<128x128xf32>
    %add3A_89 = arith.addf %dot_general3A_84, %add3A_88 : vector<128x128xf32>
    %convert_element_type3A_90 = arith.truncf %max3A_73 : vector<128x256xf32> to vector<128x256xbf16>
    %get3A_91 = arith.constant 0 : index
    %get3A_92 = arith.constant 0 : index
    %get3A_93 = vector.load %arg16[%get3A_91, %get3A_92] : memref<256x128xbf16, #tpu.memory_space<vmem>>, vector<256x128xbf16>
    %dot_general3A_94 = arith.constant dense<0.000000e+00> : vector<128x128xf32>
    %dot_general3A_95 = tpu.matmul %convert_element_type3A_90, %get3A_93, %dot_general3A_94 {dimension_numbers = #tpu.dot_dimension_numbers<[1], [0], [0], [1], [0, 0, 1, 1], [], []>, transpose_lhs_hint = false} : vector<128x256xbf16>, vector<256x128xbf16>, vector<128x128xf32> -> vector<128x128xf32>
    %add3A_96 = arith.addf %add3A_89, %dot_general3A_95 : vector<128x128xf32>
    %concatenate3A_97 = tpu.concatenate %add3A_96, %scan3A_24 in 1 : vector<128x128xf32>, vector<128x256xf32> -> vector<128x384xf32>
    %get3A_98 = arith.constant 0 : index
    %get3A_99 = arith.constant 0 : index
    %get3A_100 = vector.load %arg17[%get3A_98, %get3A_99] : memref<384x1xf32, #tpu.memory_space<vmem>>, vector<384x1xf32>
    %dot_general3A_101 = arith.constant dense<0.000000e+00> : vector<128x1xf32>
    %dot_general3A_102 = tpu.matmul %concatenate3A_97, %get3A_100, %dot_general3A_101 {dimension_numbers = #tpu.dot_dimension_numbers<[1], [0], [0], [1], [0, 0, 1, 1], [], []>, transpose_lhs_hint = false} : vector<128x384xf32>, vector<384x1xf32>, vector<128x1xf32> -> vector<128x1xf32>
    %get3A_103 = arith.constant 0 : index
    %get3A_104 = arith.constant 0 : index
    %get3A_105 = vector.load %arg18[%get3A_103, %get3A_104] : memref<1x1xf32, #tpu.memory_space<vmem>>, vector<1x1xf32>
    %add3A_106 = vector.broadcast %get3A_105 : vector<1x1xf32> to vector<128x1xf32>
    %add3A_107 = arith.addf %dot_general3A_102, %add3A_106 : vector<128x1xf32>
    %mul3A = arith.constant 5.000000e-01 : f32
    %mul3A_108 = vector.broadcast %mul3A : f32 to vector<128x1xf32>
    %mul3A_109 = arith.mulf %add3A_107, %mul3A_108 : vector<128x1xf32>
    %tanh3A = math.tanh %mul3A_109 : vector<128x1xf32>
    %mul3A_110 = arith.constant 5.000000e-01 : f32
    %mul3A_111 = vector.broadcast %mul3A_110 : f32 to vector<128x1xf32>
    %mul3A_112 = arith.mulf %tanh3A, %mul3A_111 : vector<128x1xf32>
    %add3A_113 = arith.constant 5.000000e-01 : f32
    %add3A_114 = vector.broadcast %add3A_113 : f32 to vector<128x1xf32>
    %add3A_115 = arith.addf %mul3A_112, %add3A_114 : vector<128x1xf32>
    %swap3A_116 = arith.constant 0 : index
    %swap3A_117 = arith.constant 0 : index
    %swap3A_118 = vector.load %arg19[%swap3A_116, %swap3A_117] : memref<128x1xf32, #tpu.memory_space<vmem>>, vector<128x1xf32>
    tpu.vector_store %arg19[%swap3A_116, %swap3A_117], %add3A_115 {strides = array<i32>} : memref<128x1xf32, #tpu.memory_space<vmem>>, vector<128x1xf32>,
    return
  }
}

</mosaic_0001>

<sc_bundles>
// kernel: kernel.4.cloned.1.call-start
scs
__scs_entry_jumppad:
0x0: {  	(pc) =	sbr.rel $0x88, $3  }
0x1: {  	(tag) =	ssettag $0x0;
	lr =	simm.s32 $0x1  }
0x2: {  	[smem:$0x3F8F] =	sst lr;
	_ =	strace $0xD0000000  }
0x3: {  	_ = 	snop  }
0x4: {  	_ = 	snop  }
0x5: {  	_ = 	snop  }
0x6: {  	_ = 	snop  }
0x7: {  	_ = 	snop  }
__scs_overlays_trampoline_lowered:
0x8: {  	[smem:$0x3F9E] =	sst s0  }
0x9: {  	[smem:$0x3F9F] =	sst s1  }
0xa: {  	[smem:$0x3FA0] =	sst s2  }
0xb: {  	[smem:$0x3FA1] =	sst s3  }
0xc: {  	[smem:$0x3FA2] =	sst s4  }
0xd: {  	[smem:$0x3FA3] =	sst s5  }
0xe: {  	[smem:$0x3FA4] =	sst s6  }
0xf: {  	[smem:$0x3FA5] =	sst s7  }
0x10: {  	[smem:$0x3FA6] =	sst s8  }
0x11: {  	[smem:$0x3FA7] =	sst s9;
	s0 =	simm.s32 @!p0 $0x0  }
0x12: {  	s1 =	sld [smem:$0x3F8D];
	s0 =	simm.s32 @p0 $0x1  }
0x13: {  	[smem:$0x3FA8] =	sst s0;
	s0 =	simm.s32 @!p1 $0x0  }
0x14: {  	s2 =	sld [smem:$0x3F8C];
	s0 =	simm.s32 @p1 $0x1  }
0x15: {  	[smem:$0x3FA9] =	sst s0;
	s0 =	simm.s32 @!p2 $0x0  }
0x16: {  	s3 =	sld [smem:$0x3FDB];
	s0 =	simm.s32 @p2 $0x1  }
0x17: {  	s4 =	simm.s32 $0x1BF5;
	[smem:$0x3FAB] =	sst s0  }
0x18: {  	s0 =	sld [smem:$0x3F8E];
	_ =	swait.ge [sflag:s4], $0x0  }
0x19: {  	s7 =	sld [smem:$0x3F8F]  }
0x1a: {  	s8 =	sadd.s32 $0xFFFFE003, lr  }
0x1b: {  	s9 =	sadd.s32 $0xFFFFFEF7, lr;
	s5 =	simm.s32 $0xFFFFFFFF;
	p2 =	slt.u32 s8, $0xFFFFF086  }
0x1c: {  	p1 =	slt.u32 s9, $0xF7A;
	s5 =	simm.s32 @!p2 $0x0  }
0x1d: {  	s5 =	simm.s32 @p1 $0x1;
	p0 =	seq.s32 s7, s2  }
0x1e: {  	s7 =	smul.u32 @!p0 $0xF7A, s2;
	p2 =	seq.s32 @!p0 s5, $0x0  }
0x1f: {  	s9 =	smul.u32 $0xF7A, s1;
	s8 =	simm.s32 @!p0 $0x1BF5;
	p2 =	por !p2, p0  }
0x20: {  	[sflag:s8] =	ssyncset.s32 @!p0 $0xFFFFF086;
	s6 =	sadd.s32 @!p0 s3, s7;
	s7 =	simm.s32 @!p0 $0x108  }
0x21: {  	s3 =	sadd.s32 s3, s9;
	s6 =	sadd.s32 @!p0 $0x88, s6;
	s7 =	simm.s32 @p2 $0x1082  }
0x22: {  	[simem:s7], [sflag:s8] =	dma.local @!p0 [hbm:s6], $0xF7A  }
0x23: {  	s9 =	sor.u32 $0xD0000000, s2;
	s6 =	simm.s32 $0x108;
	_ =	swait.ge @!p0 [sflag:s8], $0x0  }
0x24: {  	s3 =	sadd.s32 $0x88, s3;
	s6 =	simm.s32 @!p1 $0x1082;
	[sflag:s4] =	ssyncset.s32 $0xFFFFF086  }
0x25: {  	[simem:s6], [sflag:s4] =	dma.local [hbm:s3], $0xF7A  }
0x26: {  	[smem:$0x3F8F] =	sst s1;
	(tag) =	ssettag s2;
	_ =	strace s9  }
0x27: {  	s1 =	sld [smem:$0x3F9F]  }
0x28: {  	s2 =	sld [smem:$0x3FA0]  }
0x29: {  	s4 =	sld [smem:$0x3FA2]  }
0x2a: {  	p0 =	seq.s32 s5, $0x0;
	s5 =	sld [smem:$0x3FA3]  }
0x2b: {  	s6 =	sld [smem:$0x3FA4]  }
0x2c: {  	s7 =	sld [smem:$0x3FA5]  }
0x2d: {  	s3 =	simm.s32 $0x108;
	s8 =	sld [smem:$0x3FA6]  }
0x2e: {  	s3 =	simm.s32 @!p0 $0x1082;
	s9 =	sld [smem:$0x3FA7]  }
0x2f: {  	lr =	sadd.s32 s0, s3;
	s0 =	sld [smem:$0x3F9E]  }
0x30: {  	s3 =	sld [smem:$0x3FA1]  }
0x31: {  	[smem:$0x3FAA] =	sst s10  }
0x32: {  	s10 =	sld [smem:$0x3FA8];
	_ =	sdelay $0x3  }
0x33: {  	p0 =	seq.s32 s10, $0x1;
	s10 =	sld [smem:$0x3FAA];
	_ =	sdelay $0x3  }
0x34: {  	[smem:$0x3FAA] =	sst s10  }
0x35: {  	s10 =	sld [smem:$0x3FA9];
	_ =	sdelay $0x3  }
0x36: {  	p1 =	seq.s32 s10, $0x1;
	s10 =	sld [smem:$0x3FAA];
	_ =	sdelay $0x3  }
0x37: {  	[smem:$0x3FAA] =	sst s10  }
0x38: {  	s10 =	sld [smem:$0x3FAB]  }
0x39: {  	_ = 	snop;
	(pc) =	sbr.ind lr, $3  }
0x3a: {  	_ = 	snop  }
0x3b: {  	_ = 	snop  }
0x3c: {  	p2 =	seq.s32 s10, $0x1;
	s10 =	sld [smem:$0x3FAA]  }
0x3d: {  	_ =	shalt  }
0x3e: {  	_ =	shalt  }
0x3f: {  	_ =	shalt  }
0x40: {  	_ =	shalt  }
0x41: {  	_ =	shalt  }
0x42: {  	_ =	shalt  }
0x43: {  	_ =	shalt  }
0x44: {  	_ =	shalt  }
0x45: {  	_ =	shalt  }
0x46: {  	_ =	shalt  }
0x47: {  	_ =	shalt  }
0x48: {  	_ =	shalt  }
0x49: {  	_ =	shalt  }
0x4a: {  	_ =	shalt  }
0x4b: {  	_ =	shalt  }
0x4c: {  	_ =	shalt  }
0x4d: {  	_ =	shalt  }
0x4e: {  	_ =	shalt  }
0x4f: {  	_ =	shalt  }
0x50: {  	_ =	shalt  }
0x51: {  	_ =	shalt  }
0x52: {  	_ =	shalt  }
0x53: {  	_ =	shalt  }
0x54: {  	_ =	shalt  }
0x55: {  	_ =	shalt  }
0x56: {  	_ =	shalt  }
0x57: {  	_ =	shalt  }
0x58: {  	_ =	shalt  }
0x59: {  	_ =	shalt  }
0x5a: {  	_ =	shalt  }
0x5b: {  	_ =	shalt  }
0x5c: {  	_ =	shalt  }
0x5d: {  	_ =	shalt  }
0x5e: {  	_ =	shalt  }
0x5f: {  	_ =	shalt  }
0x60: {  	_ =	shalt  }
0x61: {  	_ =	shalt  }
0x62: {  	_ =	shalt  }
0x63: {  	_ =	shalt  }
0x64: {  	_ =	shalt  }
0x65: {  	_ =	shalt  }
0x66: {  	_ =	shalt  }
0x67: {  	_ =	shalt  }
0x68: {  	_ =	shalt  }
0x69: {  	_ =	shalt  }
0x6a: {  	_ =	shalt  }
0x6b: {  	_ =	shalt  }
0x6c: {  	_ =	shalt  }
0x6d: {  	_ =	shalt  }
0x6e: {  	_ =	shalt  }
0x6f: {  	_ =	shalt  }
0x70: {  	_ =	shalt  }
0x71: {  	_ =	shalt  }
0x72: {  	_ =	shalt  }
0x73: {  	_ =	shalt  }
0x74: {  	_ =	shalt  }
0x75: {  	_ =	shalt  }
0x76: {  	_ =	shalt  }
0x77: {  	_ =	shalt  }
0x78: {  	_ =	shalt  }
0x79: {  	_ =	shalt  }
0x7a: {  	_ =	shalt  }
0x7b: {  	_ =	shalt  }
0x7c: {  	_ =	shalt  }
0x7d: {  	_ =	shalt  }
0x7e: {  	_ =	shalt  }
0x7f: {  	_ =	shalt  }
0x80: {  	_ =	shalt  }
0x81: {  	_ =	shalt  }
0x82: {  	_ =	shalt  }
0x83: {  	_ =	shalt  }
0x84: {  	_ =	shalt  }
0x85: {  	_ =	shalt  }
0x86: {  	_ =	shalt  }
0x87: {  	_ =	shalt  }
.Lfunc_end0:
.L_simem_size_0:
called_computation_lowered:
.L_overlay_start_0:
0x88: {  	s2 =	sld [smem:$0x3FD9]  }
0x89: {  	s3 =	sld [smem:$0x3FFE];
	_ =	sdelay $0x1  }
0x8a: {  	s1 =	srdreg.scid  }
0x8b: {  	s0 =	sand.u32 $0x1, s1  }
0x8c: {  	s16 =	sshll.u32 s0, $0xA;
	s2 =	sadd.s32 s3, s2  }
0x8d: {  	s2 =	sadd.s32 s2, s16  }
0x8e: {  	[smem:$0x3FB6] =	sst s2  }
0x8f: {  	_ = 	snop  }
0x90: {  	(tm) =	ssettm $0x1  }
0x91: {  	s17 =	sld [smem:$0x3FFB];
	_ =	sdelay $0x3  }
0x92: {  	_ =	strace s17  }
0x93: {  	s2 =	sld [smem:$0x3FFC];
	_ =	sdelay $0x3  }
0x94: {  	_ =	strace s2  }
0x95: {  	s2 =	sld [smem:$0x3FFD];
	_ =	sdelay $0x3  }
0x96: {  	_ =	strace s2  }
0x97: {  	_ =	strace $0x8FFFFFFF  }
0x98: {  	s18 =	sld [smem:$0x3FDB];
	_ =	sdelay $0x1  }
0x99: {  	s19 =	simm.s32 $_scs_section_size  }
0x9a: {  	s4 =	simm.s32 $_size__tile_overlayer_lowered;
	s5 =	simm.s32 $_tile_overlayer_lowered  }
0x9b: {  	s22 =	simm.s32 $0x1BFF;
	s21 =	sshll.u32 s5, $0x1;
	s2 =	sadd.s32 s19, s18  }
0x9c: {  	s6 =	simm.s32 $0x0;
	s20 =	sshll.u32 s4, $0x1;
	s4 =	sadd.s32 s21, s2  }
0x9d: {  	[timem:s6], [sflag:s22] =	dma.local [hbm:s4], s20  }
0x9e: {  	_ =	swait.ge [sflag:s22], s20  }
0x9f: {  	s3 =	ssub.s32 $0x0, s20;
	[sflag:s22] =	ssyncset.done $0x0  }
0xa0: {  	[sflag:s22] =	ssyncadd.s32 s3;
	_ =	sdelay $0x1  }
0xa1: {  	s23 =	simm.s32 $0x1B8B  }
0xa2: {  	_ =	swait.ge [sflag:s23], $0x1  }
0xa3: {  	[sflag:s23] =	ssyncset.done $0x0  }
0xa4: {  	s25 =	simm.s32 $0x1B8E;
	s24 =	sld [smem:$0x3FFE];
	[sflag:s23] =	ssyncadd.s32 $0xFFFFFFFF  }
0xa5: {  	s26 =	simm.s32 $execute0_lowered;
	[smem:$0x3FD2] =	sst s25  }
0xa6: {  	s4 =	sshll.u32 s26, $0x1;
	_ =	strace $0x80000046;
	[dreg:$0x1] =	wrdreg $0xFFFFFFFF  }
0xa7: {  	s28 =	simm.s32 $_size_execute0_lowered;
	s2 =	sadd.s32 s2, s4;
	[dreg:$0x0] =	wrdreg $0x0  }
0xa8: {  	s4 =	sshll.u32 s28, $0x1;
	[dreg:$0x2] =	wrdreg s2  }
0xa9: {  	[dreg:$0x3] =	wrdreg s4  }
0xaa: {  	[dreg:$0x4] =	wrdreg $0xC0  }
0xab: {  	_ =	task [dreg:s6], $0x5FFFF  }
0xac: {  	[dreg:$0x1] =	wrdreg $0xFFFFFFFF  }
0xad: {  	[dreg:$0x0] =	wrdreg $0x60  }
0xae: {  	[dreg:$0x2] =	wrdreg s24  }
0xaf: {  	[dreg:$0x3] =	wrdreg $0x29000  }
0xb0: {  	[dreg:$0x4] =	wrdreg $0x9  }
0xb1: {  	_ =	task.clear_ibuf [dreg:s6], $0x5FFFF;
	_ =	strace $0x90000046  }
0xb2: {  	s29 =	simm.s32 $0x9;
	_ =	strace $0x80000048  }
0xb3: {  	_ =	swait.ge [sflag:s29], $0x1  }
0xb4: {  	[sflag:s29] =	ssyncadd.s32 $0xFFFFFFFF  }
0xb5: {  	_ =	strace $0x90000048  }
0xb6: {  	_ =	sfence  }
0xb7: {  	s30 =	sld [smem:$0x0];
	_ =	sdelay $0x2  }
0xb8: {  	s31 =	sshll.u32 s1, $0xD;
	s1 =	sshrl.u32 s1, $0x2  }
0xb9: {  	s3 =	sand.u32 $0x4000, s31;
	s1 =	sadd.s32 s1, s30  }
0xba: {  	s0 =	sor.u32 s3, s0;
	s1 =	sshll.u32 s1, $0x11  }
0xbb: {  	s0 =	sor.u32 s1, s0  }
0xbc: {  	s0 =	sadd.s32 $0x8F2B, s0  }
0xbd: {  	[sflag:s0] =	ssyncadd.remote.s32 $0x1  }
0xbe: {  	_ =	sfence.sel $0xFFFF  }
0xbf: {  	[dreg:$0x0] =	wrdreg $0xFFFFFFFF;
	(pc) =	sbr.abs _section_cstart, $3  }
0xc0: {  	[dreg:$0x1] =	wrdreg $0xFFFFFFFF  }
0xc1: {  	_ =	task.clear_ibuf [dreg:s6], $0x2FFFF;
	_ =	strace $0x9FFFFFFF  }
0xc2: {  	(tm) =	ssettm $0x7FFFFFFF  }
0xc3: {  	_ =	shalt  }
tec
execute0_lowered:
.L_overlay_start_1:
0x0: {  	(tag) =	ssettag $0x1  }
0x1: {  	s4 =	rddreg [dreg:$0x0]  }
0x2: {  	s2 =	rddreg [dreg:$0x1]  }
0x3: {  	s0 =	rddreg [dreg:$0x2];
	s1 =	stileid.u32  }
0x4: {  	s3 =	simm.s32 $0x0;
	s6 =	srdreg.scid;
	s11 =	simm.s32 $0x1  }
0x5: {  	s5 =	smul.u32 $0xA, s1;
	[smem:$0x7FF] =	sst s3;
	s9 =	sand.u32 $0x1, s6  }
0x6: {  	s3 =	sadd.s32 $0x1600, s4;
	s7 =	sshll.u32 s1, $0x7;
	s30 =	sshll.u32 s1, $0xA  }
0x7: {  	p1 =	sgt.u32 s1, $0x9;
	s31 =	sshll.u32 s1, $0x6;
	_ =	strace $0x80000047  }
.Ltmp0:
0x8: {  	s29 =	ssub.s32 $0x2, s9;
	s7 =	sadd.s32 s7, s4;
	(pc) =	sbr.rel .LBB2_1-.Ltmp0, $4  }
0x9: {  	s10 =	sadd.s32 s30, s2;
	p0 =	sne.s32 s9, $0x0;
	s9 =	sor.u32 $0x1C01, s31  }
0xa: {  	s28 =	sadd.s32 s5, s4;
	s8 =	sshrl.u32 s29, $0x1;
	s4 =	sadd.s32 $0x2200, s7  }
0xb: {  	s7 =	sadd.s32 $0x2A00, s7;
	s10 =	sshrl.u32 s10, $0x3;
	s8 =	ssub.s32 s29, s8  }
0xc: {  	s5 =	sadd.s32 $0x2000, s28;
	s6 =	sadd.s32 $0x1E00, s28;
	s8 =	smax.u32 s8, $0x1  }
.LBB2_2:
0xd: {  	[spmem:s10], [sflag:s9] =	dma.local [hbm:s4], $0x80  }
0xe: {  	_ =	swait.ge [sflag:s11], $0x80  }
0xf: {  	[sflag:s11] =	ssyncset.done $0x0  }
0x10: {  	[sflag:s11] =	ssyncadd.s32 $0xFFFFFF80  }
0x11: {  	s12 =	simm.s32 @!p1 $0x0;
	s13 =	simm.s32 @!p1 $0x1;
	[bflag:$0x0] =	sbarrier.arrive $0xFFFF  }
0x12: {  	[tilespmem:s12], [sflag:$0x1] =	stream.linear.gather @!p1 [hbm4b:s5+s12], $0x50, $0x38;
	[tilespmem:$0x2D00] =	vst v63  }
0x13: {  	_ =	swait.ge @!p1 [sflag:s13], $0x50  }
0x14: {  	[sflag:s13] =	ssyncset.done @!p1 $0x0  }
0x15: {  	s14 =	simm.s32 @!p1 $0x80;
	[sflag:s13] =	ssyncadd.s32 @!p1 $0xFFFFFFB0  }
0x16: {  	[tilespmem:s14], [sflag:$0x1] =	stream.linear.gather @!p1 [hbm4b:s6+s12], $0x50, $0x38;
	[tilespmem:$0x2D00] =	vst v63  }
0x17: {  	_ =	swait.ge @!p1 [sflag:s13], $0x50  }
0x18: {  	[sflag:s13] =	ssyncset.done @!p1 $0x0  }
0x19: {  	s15 =	simm.s32 @!p1 $0x50;
	s16 =	simm.s32 @!p1 $0x100;
	[sflag:s13] =	ssyncadd.s32 @!p1 $0xFFFFFFB0  }
0x1a: {  	[tilespmem:s16], [sflag:$0x1] =	stream.indirect.gather @!p1 [hbm4b:s3+s15], $0x80, s12, s15, $0xb8;
	[tilespmem:$0x2D00] =	vst v63  }
0x1b: {  	_ =	swait.ge @!p1 [sflag:s13], $0x2800  }
0x1c: {  	[sflag:s13] =	ssyncset.done @!p1 $0x0  }
0x1d: {  	[sflag:s13] =	ssyncadd.s32 @!p1 $0xFFFFD800  }
0x1e: {  	[spmem:s2] =	stream.indirect.scatter.add.f32 @!p1 [tilespmem:s16], [sflag:$0x1], $0x80, s14, s15, $0xb8;
	[tilespmem:$0x2D00] =	vst v63  }
0x1f: {  	_ =	swait.ge @!p1 [sflag:s13], $0x2800  }
0x20: {  	[sflag:s13] =	ssyncset.done @!p1 $0x0  }
0x21: {  	[sflag:s13] =	ssyncadd.s32 @!p1 $0xFFFFD800  }
0x22: {  	[bflag:$0x0] =	sbarrier.arrive $0xFFFF  }
0x23: {  	[hbm:s7], [sflag:s9] =	dma.local [spmem:s10], $0x80  }
0x24: {  	_ =	swait.ge [sflag:s11], $0x80  }
0x25: {  	[sflag:s11] =	ssyncset.done $0x0  }
0x26: {  	[sflag:s11] =	ssyncadd.s32 $0xFFFFFF80  }
.LBB2_3:
0x27: {  	s8 =	sadd.s32 $0xFFFFFFFF, s8  }
0x28: {  	p2 =	sne.s32 s8, $0x0  }
.Ltmp1:
0x29: {  	_ = 	snop;
	(pc) =	sbr.rel @!p2 .LBB2_4-.Ltmp1, $1  }
0x2a: {  	_ =	sdelay $0x3  }
.LBB2_1:
.Ltmp2:
0x2b: {  	(pc) =	sbr.rel @!p0 .LBB2_2-.Ltmp2, $1  }
0x2c: {  	_ =	sdelay $0x3  }
.Ltmp3:
0x2d: {  	(pc) =	sbr.rel .LBB2_3-.Ltmp3, $3  }
0x2e: {  	_ = 	snop  }
0x2f: {  	[bflag:$0x0] =	sbarrier.arrive $0xFFFF  }
0x30: {  	[bflag:$0x0] =	sbarrier.arrive $0xFFFF;
	_ =	sdelay $0x1  }
.LBB2_4:
0x31: {  	_ =	sfence.sel $0x180000  }
0x32: {  	[bflag:$0x0] =	sbarrier.arrive $0xFFFF  }
0x33: {  	p0 =	sne.s32 s1, $0x0;
	_ =	strace $0x90000047  }
0x34: {  	s0 =	sadd.s32 @!p0 $0x100000, s0;
	[bflag:$0x2] =	sbarrier.arrive $0xFFFF  }
0x35: {  	[sflag:s0] =	ssyncadd.tile.s32 @!p0 $0x1;
	_ =	shalt  }
.Lfunc_end2:
_tile_overlayer_lowered:
.L_overlay_start_2:
0x36: {  	(tag) =	ssettag $0x2  }
0x37: {  	s0 =	rddreg [dreg:$0x0];
	s2 =	stileid.u32  }
0x38: {  	s1 =	rddreg [dreg:$0x1];
	p0 =	sne.s32 s2, $0x0  }
0x39: {  	s3 =	rddreg [dreg:$0x2];
	[bflag:$0x3] =	sbarrier.arrive $0xFFFF;
	s2 =	simm.s32 @!p0 $0x1C01  }
0x3a: {  	[timem:s3], [sflag:s2] =	dma.local @!p0 [hbm:s0], s1  }
0x3b: {  	s0 =	simm.s32 @!p0 $0x1  }
0x3c: {  	_ =	swait.ge @!p0 [sflag:s0], s1  }
0x3d: {  	s1 =	ssub.s32 @!p0 $0x0, s1;
	[sflag:s0] =	ssyncset.done @!p0 $0x0  }
0x3e: {  	[sflag:s0] =	ssyncadd.s32 @!p0 s1  }
0x3f: {  	[bflag:$0x3] =	sbarrier.arrive $0xFFFF  }
0x40: {  	_ =	shalt  }

</sc_bundles>
